<compile_context>
chip_gen: v7x
topology: tpu7x:2x2x1
jax: 0.10.2.dev20260603
libtpu: 0.0.44.dev20260713+nightly
codegen_flags: <defaults>
</compile_context>

<pallas_src>
import functools

import jax
import jax.numpy as jnp
from jax import lax
from jax.experimental import pallas as pl
from jax.experimental.pallas import tpu as pltpu
from jax.experimental.pallas import tpu_sc as plsc

HIDDEN = 1024
NC = 2
NS = 16
NW = NC * NS
CHUNK = 32


def _make_gather(ntok: int):
    assert ntok % NW == 0
    bpw = ntok // NW
    assert bpw % CHUNK == 0
    nch = bpw // CHUNK
    nbuf = 2
    assert nch % nbuf == 0

    mesh = plsc.VectorSubcoreMesh(core_axis_name="c", subcore_axis_name="s")

    @functools.partial(
        pl.kernel,
        mesh=mesh,
        out_type=jax.ShapeDtypeStruct((ntok, HIDDEN), jnp.float32),
        scratch_types=[
            pltpu.VMEM((bpw,), jnp.int32),
            [pltpu.VMEM((CHUNK, HIDDEN), jnp.float32) for _ in range(nbuf)],
            [pltpu.SemaphoreType.DMA for _ in range(nbuf)],
            [pltpu.SemaphoreType.DMA for _ in range(nbuf)],
        ],
    )
    def gather_kernel(ids_hbm, table_hbm, out_hbm, idx_v, bufs, gsems, ssems):
        wid = lax.axis_index("s") * NC + lax.axis_index("c")
        base = wid * bpw
        pltpu.sync_copy(ids_hbm.at[pl.ds(base, bpw)], idx_v)

        def start_gather(ch, b):
            pltpu.async_copy(
                table_hbm.at[idx_v.at[pl.ds(ch * CHUNK, CHUNK)]], bufs[b], gsems[b]
            )

        for b in range(nbuf):
            start_gather(b, b)

        @pl.loop(0, nch, step=nbuf)
        def _(i):
            for b in range(nbuf):
                ch = i + b
                pltpu.make_async_copy(
                    table_hbm.at[idx_v.at[pl.ds(0, CHUNK)]], bufs[b], gsems[b]
                ).wait()
                st = pltpu.async_copy(
                    bufs[b], out_hbm.at[pl.ds(base + ch * CHUNK, CHUNK)], ssems[b]
                )
                st.wait()

                @pl.when(ch + nbuf < nch)
                def _():
                    start_gather(ch + nbuf, b)

    return gather_kernel


def kernel(input_ids, position_ids, embed_tokens):
    batch, seq = input_ids.shape
    ids_flat = input_ids.reshape(-1)
    rows = _make_gather(batch * seq)(ids_flat, embed_tokens)
    hidden_states = rows.reshape(batch, seq, HIDDEN)
    return hidden_states, position_ids.reshape(-1, seq).astype(jnp.int32)

# --- scband reference (transcript-rebuilt; emitter-appended) ---
"""Pipeline reference for scband-embedding-pipe-layer-40759239639626 (READ-ONLY COPY).

The authoritative reference and input builder live on the scoring server;
editing this copy changes nothing except your own understanding.
"""

import jax, jax.numpy as jnp
import numpy as np

VOCAB = 100000
HIDDEN = 1024
BATCH = 4
SEQ = 8192
PAD = 0


def setup_inputs(seed: int = 0) -> dict:
    key = jax.random.key(seed)
    k1, k2 = jax.random.split(key, 2)
    input_ids = jax.random.randint(k1, (BATCH, SEQ), 0, VOCAB, dtype=jnp.int32)
    position_ids = jnp.arange(BATCH * SEQ, dtype=jnp.int32).reshape(BATCH, SEQ) % SEQ
    embed_tokens = jax.random.normal(k2, (VOCAB, HIDDEN), dtype=jnp.float32)
    # torch.nn.Embedding with padding_idx keeps a zero row at padding_idx
    embed_tokens = embed_tokens.at[PAD].set(0.0)
    return {"input_ids": input_ids, "position_ids": position_ids, "embed_tokens": embed_tokens}


def reference(input_ids, position_ids, embed_tokens):
    batch_size, seq_length = input_ids.shape
    # position_ids provided -> view(-1, seq_length).long()
    position_ids = position_ids.reshape(-1, seq_length).astype(jnp.int32)
    # embedding lookup (SparseCore gather)
    inputs_embeds = jnp.take(embed_tokens, input_ids, axis=0)
    hidden_states = inputs_embeds
    return (hidden_states, position_ids)

if __name__ == "__main__":
    import jax
    _d = setup_inputs()
    print(jax.jit(kernel)(*tuple(_d.values())))

</pallas_src>

<mosaic_0001>
#map = affine_map<(d0, d1) -> (0)>
#map1 = affine_map<(d0, d1) -> (0, 0)>
module attributes {stable_mosaic.version = 14 : i64} {
  func.func @gather_kernel(%arg0: i32, %arg1: i32, %arg2: memref<32768xi32, #tpu.memory_space<hbm>>, %arg3: memref<100000x1024xf32, #tpu.memory_space<hbm>>, %arg4: memref<32768x1024xf32, #tpu.memory_space<hbm>>, %arg5: memref<1024xi32, #tpu.memory_space<vmem>>, %arg6: memref<32x1024xf32, #tpu.memory_space<vmem>>, %arg7: memref<32x1024xf32, #tpu.memory_space<vmem>>, %arg8: memref<!tpu.dma_semaphore, #tpu.memory_space<semaphore_mem>>, %arg9: memref<!tpu.dma_semaphore, #tpu.memory_space<semaphore_mem>>, %arg10: memref<!tpu.dma_semaphore, #tpu.memory_space<semaphore_mem>>, %arg11: memref<!tpu.dma_semaphore, #tpu.memory_space<semaphore_mem>>) attributes {dimension_semantics = [#tpu.dimension_semantics<core_parallel>, #tpu.dimension_semantics<subcore_parallel>], iteration_bounds = array<i64: 2, 16>, scalar_prefetch = 0 : i64, scratch_operands = 7 : i64, tpu.core_type = #tpu.core_type<sc_vector_subcore>, window_params = [{transform_indices = #map}, {transform_indices = #map1}, {transform_indices = #map1}]} {
    %mul3A = arith.constant 2 : i32
    %mul3A_0 = arith.muli %arg1, %mul3A : i32
    %add3A = arith.addi %mul3A_0, %arg0 : i32
    %mul3A_1 = arith.constant 1024 : i32
    %mul3A_2 = arith.muli %add3A, %mul3A_1 : i32
    "tpu.region"() ({
      %run_scoped3A = tpu.sem_alloc : memref<!tpu.dma_semaphore, #tpu.memory_space<semaphore_mem>>
      %dma_start3A_16 = tpu.memref_slice %arg2[%mul3A_2] : memref<32768xi32, #tpu.memory_space<hbm>> -> memref<1024xi32, #tpu.memory_space<hbm>>
      %dma_start3A_17 = tpu.memref_slice %arg2[%mul3A_2] : memref<32768xi32, #tpu.memory_space<hbm>> -> memref<1024xi32, #tpu.memory_space<hbm>>
      tpu.enqueue_dma source(%dma_start3A_17 : memref<1024xi32, #tpu.memory_space<hbm>>) target(%arg5 : memref<1024xi32, #tpu.memory_space<vmem>>) target_semaphore(%run_scoped3A : memref<!tpu.dma_semaphore, #tpu.memory_space<semaphore_mem>>)
      %dma_wait3A = tpu.memref_slice %arg2[%mul3A_2] : memref<32768xi32, #tpu.memory_space<hbm>> -> memref<1024xi32, #tpu.memory_space<hbm>>
      %dma_wait3A_18 = tpu.memref_slice %arg2[%mul3A_2] : memref<32768xi32, #tpu.memory_space<hbm>> -> memref<1024xi32, #tpu.memory_space<hbm>>
      tpu.wait_dma2 semaphore(%run_scoped3A : memref<!tpu.dma_semaphore, #tpu.memory_space<semaphore_mem>>) src(%dma_wait3A_18 : memref<1024xi32, #tpu.memory_space<hbm>>) dst(%arg5 : memref<1024xi32, #tpu.memory_space<vmem>>)
      tpu.yield
    }) : () -> ()
    %dma_start3A = arith.constant 0 : i32
    %dma_start3A_3 = tpu.memref_slice %arg5[%dma_start3A] : memref<1024xi32, #tpu.memory_space<vmem>> -> memref<32xi32, #tpu.memory_space<vmem>>
    %dma_start3A_4 = arith.constant 0 : i32
    %dma_start3A_5 = arith.constant 0 : i32
    %dma_start3A_6 = tpu.memref_slice %arg3[%dma_start3A_4, %dma_start3A_5] : memref<100000x1024xf32, #tpu.memory_space<hbm>> -> memref<100000x1024xf32, #tpu.memory_space<hbm>>
    tpu.enqueue_indirect_dma source(%dma_start3A_6 : memref<100000x1024xf32, #tpu.memory_space<hbm>>) target(%arg6 : memref<32x1024xf32, #tpu.memory_space<vmem>>) offsets(%dma_start3A_3 : memref<32xi32, #tpu.memory_space<vmem>>) semaphore(%arg8 : memref<!tpu.dma_semaphore, #tpu.memory_space<semaphore_mem>>)
    %dma_start3A_7 = arith.constant 32 : i32
    %dma_start3A_8 = tpu.memref_slice %arg5[%dma_start3A_7] : memref<1024xi32, #tpu.memory_space<vmem>> -> memref<32xi32, #tpu.memory_space<vmem>>
    %dma_start3A_9 = arith.constant 0 : i32
    %dma_start3A_10 = arith.constant 0 : i32
    %dma_start3A_11 = tpu.memref_slice %arg3[%dma_start3A_9, %dma_start3A_10] : memref<100000x1024xf32, #tpu.memory_space<hbm>> -> memref<100000x1024xf32, #tpu.memory_space<hbm>>
    tpu.enqueue_indirect_dma source(%dma_start3A_11 : memref<100000x1024xf32, #tpu.memory_space<hbm>>) target(%arg7 : memref<32x1024xf32, #tpu.memory_space<vmem>>) offsets(%dma_start3A_8 : memref<32xi32, #tpu.memory_space<vmem>>) semaphore(%arg9 : memref<!tpu.dma_semaphore, #tpu.memory_space<semaphore_mem>>)
    %scan3A = arith.constant 0 : i32
    %scan3A_12 = arith.constant 16 : i32
    %scan3A_13 = arith.addi %scan3A, %scan3A_12 : i32
    %scan3A_14 = arith.constant 1 : i32
    scf.for %scan3A_16 = %scan3A to %scan3A_13 step %scan3A_14  : i32 {
      %mul3A_17 = arith.constant 2 : i32
      %mul3A_18 = arith.muli %scan3A_16, %mul3A_17 : i32
      %add3A_19 = arith.constant 0 : i32
      %add3A_20 = arith.addi %add3A_19, %mul3A_18 : i32
      %add3A_21 = arith.constant 0 : i32
      %add3A_22 = arith.addi %add3A_20, %add3A_21 : i32
      %dma_wait3A = arith.constant 0 : i32
      %dma_wait3A_23 = tpu.memref_slice %arg5[%dma_wait3A] : memref<1024xi32, #tpu.memory_space<vmem>> -> memref<32xi32, #tpu.memory_space<vmem>>
      %dma_wait3A_24 = arith.constant 0 : i32
      %dma_wait3A_25 = arith.constant 0 : i32
      %dma_wait3A_26 = tpu.memref_slice %arg3[%dma_wait3A_24, %dma_wait3A_25] : memref<100000x1024xf32, #tpu.memory_space<hbm>> -> memref<100000x1024xf32, #tpu.memory_space<hbm>>
      tpu.wait_indirect_dma semaphore(%arg8 : memref<!tpu.dma_semaphore, #tpu.memory_space<semaphore_mem>>) src(%dma_wait3A_26 : memref<100000x1024xf32, #tpu.memory_space<hbm>>) dst(%arg6 : memref<32x1024xf32, #tpu.memory_space<vmem>>)
      %mul3A_27 = arith.constant 32 : i32
      %mul3A_28 = arith.muli %add3A_22, %mul3A_27 : i32
      %add3A_29 = arith.addi %mul3A_2, %mul3A_28 : i32
      %dma_start3A_30 = arith.constant 0 : i32
      %dma_start3A_31 = tpu.memref_slice %arg4[%add3A_29, %dma_start3A_30] : memref<32768x1024xf32, #tpu.memory_space<hbm>> -> memref<32x1024xf32, #tpu.memory_space<hbm>>
      %dma_start3A_32 = arith.constant 0 : i32
      %dma_start3A_33 = tpu.memref_slice %arg4[%add3A_29, %dma_start3A_32] : memref<32768x1024xf32, #tpu.memory_space<hbm>> -> memref<32x1024xf32, #tpu.memory_space<hbm>>
      tpu.enqueue_dma source(%arg6 : memref<32x1024xf32, #tpu.memory_space<vmem>>) target(%dma_start3A_33 : memref<32x1024xf32, #tpu.memory_space<hbm>>) target_semaphore(%arg10 : memref<!tpu.dma_semaphore, #tpu.memory_space<semaphore_mem>>)
      %dma_wait3A_34 = arith.constant 0 : i32
      %dma_wait3A_35 = tpu.memref_slice %arg4[%add3A_29, %dma_wait3A_34] : memref<32768x1024xf32, #tpu.memory_space<hbm>> -> memref<32x1024xf32, #tpu.memory_space<hbm>>
      %dma_wait3A_36 = arith.constant 0 : i32
      %dma_wait3A_37 = tpu.memref_slice %arg4[%add3A_29, %dma_wait3A_36] : memref<32768x1024xf32, #tpu.memory_space<hbm>> -> memref<32x1024xf32, #tpu.memory_space<hbm>>
      tpu.wait_dma2 semaphore(%arg10 : memref<!tpu.dma_semaphore, #tpu.memory_space<semaphore_mem>>) src(%arg6 : memref<32x1024xf32, #tpu.memory_space<vmem>>) dst(%dma_wait3A_37 : memref<32x1024xf32, #tpu.memory_space<hbm>>)
      %add3A_38 = arith.constant 2 : i32
      %add3A_39 = arith.addi %add3A_22, %add3A_38 : i32
      %lt3A = arith.constant 32 : i32
      %lt3A_40 = arith.cmpi slt, %add3A_39, %lt3A : i32
      %convert_element_type3A = arith.extui %lt3A_40 : i1 to i32
      %cond3A = arith.constant 0 : i32
      %cond3A_41 = arith.cmpi ne, %convert_element_type3A, %cond3A : i32
      scf.if %cond3A_41 {
        %add3A_67 = arith.constant 2 : i32
        %add3A_68 = arith.addi %add3A_22, %add3A_67 : i32
        %mul3A_69 = arith.constant 32 : i32
        %mul3A_70 = arith.muli %add3A_68, %mul3A_69 : i32
        %dma_start3A_71 = tpu.memref_slice %arg5[%mul3A_70] : memref<1024xi32, #tpu.memory_space<vmem>> -> memref<32xi32, #tpu.memory_space<vmem>>
        %dma_start3A_72 = arith.constant 0 : i32
        %dma_start3A_73 = arith.constant 0 : i32
        %dma_start3A_74 = tpu.memref_slice %arg3[%dma_start3A_72, %dma_start3A_73] : memref<100000x1024xf32, #tpu.memory_space<hbm>> -> memref<100000x1024xf32, #tpu.memory_space<hbm>>
        tpu.enqueue_indirect_dma source(%dma_start3A_74 : memref<100000x1024xf32, #tpu.memory_space<hbm>>) target(%arg6 : memref<32x1024xf32, #tpu.memory_space<vmem>>) offsets(%dma_start3A_71 : memref<32xi32, #tpu.memory_space<vmem>>) semaphore(%arg8 : memref<!tpu.dma_semaphore, #tpu.memory_space<semaphore_mem>>)
      } else {
      }
      %add3A_42 = arith.constant 1 : i32
      %add3A_43 = arith.addi %add3A_20, %add3A_42 : i32
      %dma_wait3A_44 = arith.constant 0 : i32
      %dma_wait3A_45 = tpu.memref_slice %arg5[%dma_wait3A_44] : memref<1024xi32, #tpu.memory_space<vmem>> -> memref<32xi32, #tpu.memory_space<vmem>>
      %dma_wait3A_46 = arith.constant 0 : i32
      %dma_wait3A_47 = arith.constant 0 : i32
      %dma_wait3A_48 = tpu.memref_slice %arg3[%dma_wait3A_46, %dma_wait3A_47] : memref<100000x1024xf32, #tpu.memory_space<hbm>> -> memref<100000x1024xf32, #tpu.memory_space<hbm>>
      tpu.wait_indirect_dma semaphore(%arg9 : memref<!tpu.dma_semaphore, #tpu.memory_space<semaphore_mem>>) src(%dma_wait3A_48 : memref<100000x1024xf32, #tpu.memory_space<hbm>>) dst(%arg7 : memref<32x1024xf32, #tpu.memory_space<vmem>>)
      %mul3A_49 = arith.constant 32 : i32
      %mul3A_50 = arith.muli %add3A_43, %mul3A_49 : i32
      %add3A_51 = arith.addi %mul3A_2, %mul3A_50 : i32
      %dma_start3A_52 = arith.constant 0 : i32
      %dma_start3A_53 = tpu.memref_slice %arg4[%add3A_51, %dma_start3A_52] : memref<32768x1024xf32, #tpu.memory_space<hbm>> -> memref<32x1024xf32, #tpu.memory_space<hbm>>
      %dma_start3A_54 = arith.constant 0 : i32
      %dma_start3A_55 = tpu.memref_slice %arg4[%add3A_51, %dma_start3A_54] : memref<32768x1024xf32, #tpu.memory_space<hbm>> -> memref<32x1024xf32, #tpu.memory_space<hbm>>
      tpu.enqueue_dma source(%arg7 : memref<32x1024xf32, #tpu.memory_space<vmem>>) target(%dma_start3A_55 : memref<32x1024xf32, #tpu.memory_space<hbm>>) target_semaphore(%arg11 : memref<!tpu.dma_semaphore, #tpu.memory_space<semaphore_mem>>)
      %dma_wait3A_56 = arith.constant 0 : i32
      %dma_wait3A_57 = tpu.memref_slice %arg4[%add3A_51, %dma_wait3A_56] : memref<32768x1024xf32, #tpu.memory_space<hbm>> -> memref<32x1024xf32, #tpu.memory_space<hbm>>
      %dma_wait3A_58 = arith.constant 0 : i32
      %dma_wait3A_59 = tpu.memref_slice %arg4[%add3A_51, %dma_wait3A_58] : memref<32768x1024xf32, #tpu.memory_space<hbm>> -> memref<32x1024xf32, #tpu.memory_space<hbm>>
      tpu.wait_dma2 semaphore(%arg11 : memref<!tpu.dma_semaphore, #tpu.memory_space<semaphore_mem>>) src(%arg7 : memref<32x1024xf32, #tpu.memory_space<vmem>>) dst(%dma_wait3A_59 : memref<32x1024xf32, #tpu.memory_space<hbm>>)
      %add3A_60 = arith.constant 2 : i32
      %add3A_61 = arith.addi %add3A_43, %add3A_60 : i32
      %lt3A_62 = arith.constant 32 : i32
      %lt3A_63 = arith.cmpi slt, %add3A_61, %lt3A_62 : i32
      %convert_element_type3A_64 = arith.extui %lt3A_63 : i1 to i32
      %cond3A_65 = arith.constant 0 : i32
      %cond3A_66 = arith.cmpi ne, %convert_element_type3A_64, %cond3A_65 : i32
      scf.if %cond3A_66 {
        %add3A_67 = arith.constant 2 : i32
        %add3A_68 = arith.addi %add3A_43, %add3A_67 : i32
        %mul3A_69 = arith.constant 32 : i32
        %mul3A_70 = arith.muli %add3A_68, %mul3A_69 : i32
        %dma_start3A_71 = tpu.memref_slice %arg5[%mul3A_70] : memref<1024xi32, #tpu.memory_space<vmem>> -> memref<32xi32, #tpu.memory_space<vmem>>
        %dma_start3A_72 = arith.constant 0 : i32
        %dma_start3A_73 = arith.constant 0 : i32
        %dma_start3A_74 = tpu.memref_slice %arg3[%dma_start3A_72, %dma_start3A_73] : memref<100000x1024xf32, #tpu.memory_space<hbm>> -> memref<100000x1024xf32, #tpu.memory_space<hbm>>
        tpu.enqueue_indirect_dma source(%dma_start3A_74 : memref<100000x1024xf32, #tpu.memory_space<hbm>>) target(%arg7 : memref<32x1024xf32, #tpu.memory_space<vmem>>) offsets(%dma_start3A_71 : memref<32xi32, #tpu.memory_space<vmem>>) semaphore(%arg9 : memref<!tpu.dma_semaphore, #tpu.memory_space<semaphore_mem>>)
      } else {
      }
    }
    %scan3A_15 = arith.constant 16 : i32
    return
  }
}

</mosaic_0001>

<sc_bundles>
// kernel: kernel.3.cloned.1.call-start
scs
__scs_entry_jumppad:
0x0: {  	(pc) =	sbr.rel $0x88, $3  }
0x1: {  	(tag) =	ssettag $0x0;
	lr =	simm.s32 $0x1  }
0x2: {  	[smem:$0x3F9E] =	sst lr;
	_ =	strace $0xD0000000  }
0x3: {  	_ = 	snop  }
0x4: {  	_ = 	snop  }
0x5: {  	_ = 	snop  }
0x6: {  	_ = 	snop  }
0x7: {  	_ = 	snop  }
__scs_overlays_trampoline_lowered:
0x8: {  	[smem:$0x3FAD] =	sst s0  }
0x9: {  	[smem:$0x3FAE] =	sst s1  }
0xa: {  	[smem:$0x3FAF] =	sst s2  }
0xb: {  	[smem:$0x3FB0] =	sst s3  }
0xc: {  	[smem:$0x3FB1] =	sst s4  }
0xd: {  	[smem:$0x3FB2] =	sst s5  }
0xe: {  	[smem:$0x3FB3] =	sst s6  }
0xf: {  	[smem:$0x3FB4] =	sst s7  }
0x10: {  	[smem:$0x3FB5] =	sst s8  }
0x11: {  	[smem:$0x3FB6] =	sst s9;
	s0 =	simm.s32 @!p0 $0x0  }
0x12: {  	s1 =	sld [smem:$0x3F9C];
	s0 =	simm.s32 @p0 $0x1  }
0x13: {  	[smem:$0x3FB7] =	sst s0;
	s0 =	simm.s32 @!p1 $0x0  }
0x14: {  	s2 =	sld [smem:$0x3F9B];
	s0 =	simm.s32 @p1 $0x1  }
0x15: {  	[smem:$0x3FB8] =	sst s0;
	s0 =	simm.s32 @!p2 $0x0  }
0x16: {  	s3 =	sld [smem:$0x3FDB];
	s0 =	simm.s32 @p2 $0x1  }
0x17: {  	s4 =	simm.s32 $0x1BF5;
	[smem:$0x3FBA] =	sst s0  }
0x18: {  	s0 =	sld [smem:$0x3F9D];
	_ =	swait.ge [sflag:s4], $0x0  }
0x19: {  	s7 =	sld [smem:$0x3F9E]  }
0x1a: {  	s8 =	sadd.s32 $0xFFFFE003, lr  }
0x1b: {  	s9 =	sadd.s32 $0xFFFFFEF7, lr;
	s5 =	simm.s32 $0xFFFFFFFF;
	p2 =	slt.u32 s8, $0xFFFFF086  }
0x1c: {  	p1 =	slt.u32 s9, $0xF7A;
	s5 =	simm.s32 @!p2 $0x0  }
0x1d: {  	s5 =	simm.s32 @p1 $0x1;
	p0 =	seq.s32 s7, s2  }
0x1e: {  	s7 =	smul.u32 @!p0 $0xF7A, s2;
	p2 =	seq.s32 @!p0 s5, $0x0  }
0x1f: {  	s9 =	smul.u32 $0xF7A, s1;
	s8 =	simm.s32 @!p0 $0x1BF5;
	p2 =	por !p2, p0  }
0x20: {  	[sflag:s8] =	ssyncset.s32 @!p0 $0xFFFFF086;
	s6 =	sadd.s32 @!p0 s3, s7;
	s7 =	simm.s32 @!p0 $0x108  }
0x21: {  	s3 =	sadd.s32 s3, s9;
	s6 =	sadd.s32 @!p0 $0x88, s6;
	s7 =	simm.s32 @p2 $0x1082  }
0x22: {  	[simem:s7], [sflag:s8] =	dma.local @!p0 [hbm:s6], $0xF7A  }
0x23: {  	s9 =	sor.u32 $0xD0000000, s2;
	s6 =	simm.s32 $0x108;
	_ =	swait.ge @!p0 [sflag:s8], $0x0  }
0x24: {  	s3 =	sadd.s32 $0x88, s3;
	s6 =	simm.s32 @!p1 $0x1082;
	[sflag:s4] =	ssyncset.s32 $0xFFFFF086  }
0x25: {  	[simem:s6], [sflag:s4] =	dma.local [hbm:s3], $0xF7A  }
0x26: {  	[smem:$0x3F9E] =	sst s1;
	(tag) =	ssettag s2;
	_ =	strace s9  }
0x27: {  	s1 =	sld [smem:$0x3FAE]  }
0x28: {  	s2 =	sld [smem:$0x3FAF]  }
0x29: {  	s4 =	sld [smem:$0x3FB1]  }
0x2a: {  	p0 =	seq.s32 s5, $0x0;
	s5 =	sld [smem:$0x3FB2]  }
0x2b: {  	s6 =	sld [smem:$0x3FB3]  }
0x2c: {  	s7 =	sld [smem:$0x3FB4]  }
0x2d: {  	s3 =	simm.s32 $0x108;
	s8 =	sld [smem:$0x3FB5]  }
0x2e: {  	s3 =	simm.s32 @!p0 $0x1082;
	s9 =	sld [smem:$0x3FB6]  }
0x2f: {  	lr =	sadd.s32 s0, s3;
	s0 =	sld [smem:$0x3FAD]  }
0x30: {  	s3 =	sld [smem:$0x3FB0]  }
0x31: {  	[smem:$0x3FB9] =	sst s10  }
0x32: {  	s10 =	sld [smem:$0x3FB7];
	_ =	sdelay $0x3  }
0x33: {  	p0 =	seq.s32 s10, $0x1;
	s10 =	sld [smem:$0x3FB9];
	_ =	sdelay $0x3  }
0x34: {  	[smem:$0x3FB9] =	sst s10  }
0x35: {  	s10 =	sld [smem:$0x3FB8];
	_ =	sdelay $0x3  }
0x36: {  	p1 =	seq.s32 s10, $0x1;
	s10 =	sld [smem:$0x3FB9];
	_ =	sdelay $0x3  }
0x37: {  	[smem:$0x3FB9] =	sst s10  }
0x38: {  	s10 =	sld [smem:$0x3FBA]  }
0x39: {  	_ = 	snop;
	(pc) =	sbr.ind lr, $3  }
0x3a: {  	_ = 	snop  }
0x3b: {  	_ = 	snop  }
0x3c: {  	p2 =	seq.s32 s10, $0x1;
	s10 =	sld [smem:$0x3FB9]  }
0x3d: {  	_ =	shalt  }
0x3e: {  	_ =	shalt  }
0x3f: {  	_ =	shalt  }
0x40: {  	_ =	shalt  }
0x41: {  	_ =	shalt  }
0x42: {  	_ =	shalt  }
0x43: {  	_ =	shalt  }
0x44: {  	_ =	shalt  }
0x45: {  	_ =	shalt  }
0x46: {  	_ =	shalt  }
0x47: {  	_ =	shalt  }
0x48: {  	_ =	shalt  }
0x49: {  	_ =	shalt  }
0x4a: {  	_ =	shalt  }
0x4b: {  	_ =	shalt  }
0x4c: {  	_ =	shalt  }
0x4d: {  	_ =	shalt  }
0x4e: {  	_ =	shalt  }
0x4f: {  	_ =	shalt  }
0x50: {  	_ =	shalt  }
0x51: {  	_ =	shalt  }
0x52: {  	_ =	shalt  }
0x53: {  	_ =	shalt  }
0x54: {  	_ =	shalt  }
0x55: {  	_ =	shalt  }
0x56: {  	_ =	shalt  }
0x57: {  	_ =	shalt  }
0x58: {  	_ =	shalt  }
0x59: {  	_ =	shalt  }
0x5a: {  	_ =	shalt  }
0x5b: {  	_ =	shalt  }
0x5c: {  	_ =	shalt  }
0x5d: {  	_ =	shalt  }
0x5e: {  	_ =	shalt  }
0x5f: {  	_ =	shalt  }
0x60: {  	_ =	shalt  }
0x61: {  	_ =	shalt  }
0x62: {  	_ =	shalt  }
0x63: {  	_ =	shalt  }
0x64: {  	_ =	shalt  }
0x65: {  	_ =	shalt  }
0x66: {  	_ =	shalt  }
0x67: {  	_ =	shalt  }
0x68: {  	_ =	shalt  }
0x69: {  	_ =	shalt  }
0x6a: {  	_ =	shalt  }
0x6b: {  	_ =	shalt  }
0x6c: {  	_ =	shalt  }
0x6d: {  	_ =	shalt  }
0x6e: {  	_ =	shalt  }
0x6f: {  	_ =	shalt  }
0x70: {  	_ =	shalt  }
0x71: {  	_ =	shalt  }
0x72: {  	_ =	shalt  }
0x73: {  	_ =	shalt  }
0x74: {  	_ =	shalt  }
0x75: {  	_ =	shalt  }
0x76: {  	_ =	shalt  }
0x77: {  	_ =	shalt  }
0x78: {  	_ =	shalt  }
0x79: {  	_ =	shalt  }
0x7a: {  	_ =	shalt  }
0x7b: {  	_ =	shalt  }
0x7c: {  	_ =	shalt  }
0x7d: {  	_ =	shalt  }
0x7e: {  	_ =	shalt  }
0x7f: {  	_ =	shalt  }
0x80: {  	_ =	shalt  }
0x81: {  	_ =	shalt  }
0x82: {  	_ =	shalt  }
0x83: {  	_ =	shalt  }
0x84: {  	_ =	shalt  }
0x85: {  	_ =	shalt  }
0x86: {  	_ =	shalt  }
0x87: {  	_ =	shalt  }
.Lfunc_end0:
.L_simem_size_0:
called_computation_lowered:
.L_overlay_start_0:
0x88: {  	s2 =	sld [smem:$0x3FD9]  }
0x89: {  	s3 =	sld [smem:$0x3FFE];
	_ =	sdelay $0x1  }
0x8a: {  	s1 =	srdreg.scid  }
0x8b: {  	s0 =	sand.u32 $0x1, s1  }
0x8c: {  	s15 =	sshll.u32 s0, $0xA;
	s2 =	sadd.s32 s3, s2  }
0x8d: {  	s2 =	sadd.s32 s2, s15  }
0x8e: {  	[smem:$0x3FC5] =	sst s2  }
0x8f: {  	_ = 	snop  }
0x90: {  	s2 =	sld [smem:$0x3FD0];
	_ =	sdelay $0x2  }
0x91: {  	s4 =	simm.s32 $0xA;
	s5 =	simm.s32 $0x10;
	s16 =	sld [smem:$0x3FC7]  }
0x92: {  	[smem:s5], [sflag:s4] =	dma.local [hbm:s2], $0x1  }
0x93: {  	_ =	swait.eq [sflag:s4], $0x1  }
0x94: {  	[sflag:s4] =	ssyncset.done $0x0  }
0x95: {  	s17 =	sld [smem:$0x10];
	[sflag:s4] =	ssyncadd.s32 $0xFFFFFFFF  }
0x96: {  	s18 =	sld [smem:$0x11];
	(tm) =	ssettm $0x1  }
0x97: {  	s19 =	sld [smem:$0x3FFB];
	_ =	sdelay $0x3  }
0x98: {  	_ =	strace s19  }
0x99: {  	s5 =	sld [smem:$0x3FFC];
	_ =	sdelay $0x3  }
0x9a: {  	_ =	strace s5  }
0x9b: {  	s5 =	sld [smem:$0x3FFD];
	_ =	sdelay $0x3  }
0x9c: {  	_ =	strace s5  }
0x9d: {  	_ =	strace $0x8FFFFFFF  }
0x9e: {  	s20 =	sld [smem:$0x3FDB];
	_ =	sdelay $0x1  }
0x9f: {  	s6 =	simm.s32 $_scs_section_size  }
0xa0: {  	s7 =	simm.s32 $_size__tile_overlayer_lowered;
	s8 =	simm.s32 $_tile_overlayer_lowered  }
0xa1: {  	s23 =	simm.s32 $0x1BFF;
	s22 =	sshll.u32 s8, $0x1;
	s5 =	sadd.s32 s6, s20  }
0xa2: {  	s9 =	simm.s32 $0x0;
	s21 =	sshll.u32 s7, $0x1;
	s7 =	sadd.s32 s22, s5  }
0xa3: {  	[timem:s9], [sflag:s23] =	dma.local [hbm:s7], s21  }
0xa4: {  	_ =	swait.ge [sflag:s23], s21  }
0xa5: {  	s6 =	ssub.s32 $0x0, s21;
	[sflag:s23] =	ssyncset.done $0x0  }
0xa6: {  	[sflag:s23] =	ssyncadd.s32 s6;
	_ =	sdelay $0x1  }
0xa7: {  	s24 =	simm.s32 $0x1B8B  }
0xa8: {  	_ =	swait.ge [sflag:s24], $0x1  }
0xa9: {  	[sflag:s24] =	ssyncset.done $0x0  }
0xaa: {  	s25 =	simm.s32 $0x1B8E;
	[sflag:s24] =	ssyncadd.s32 $0xFFFFFFFF  }
0xab: {  	s26 =	simm.s32 $execute0_lowered;
	[smem:$0x3FD2] =	sst s25  }
0xac: {  	s6 =	sshll.u32 s26, $0x1;
	_ =	strace $0x80000046;
	[dreg:$0x1] =	wrdreg $0xFFFFFFFF  }
0xad: {  	s28 =	simm.s32 $_size_execute0_lowered;
	s5 =	sadd.s32 s5, s6;
	[dreg:$0x0] =	wrdreg $0x0  }
0xae: {  	s6 =	sshll.u32 s28, $0x1;
	[dreg:$0x2] =	wrdreg s5  }
0xaf: {  	[dreg:$0x3] =	wrdreg s6  }
0xb0: {  	[dreg:$0x4] =	wrdreg $0xC0  }
0xb1: {  	_ =	task [dreg:s9], $0x5FFFF  }
0xb2: {  	[dreg:$0x1] =	wrdreg $0xFFFFFFFF  }
0xb3: {  	[dreg:$0x0] =	wrdreg $0x60  }
0xb4: {  	[dreg:$0x2] =	wrdreg s18  }
0xb5: {  	[dreg:$0x3] =	wrdreg s16  }
0xb6: {  	[dreg:$0x4] =	wrdreg s17  }
0xb7: {  	[dreg:$0x5] =	wrdreg $0x9  }
0xb8: {  	_ =	task.clear_ibuf [dreg:s9], $0x6FFFF;
	_ =	strace $0x90000046  }
0xb9: {  	s29 =	simm.s32 $0x9;
	_ =	strace $0x80000048  }
0xba: {  	_ =	swait.ge [sflag:s29], $0x1  }
0xbb: {  	[sflag:s29] =	ssyncadd.s32 $0xFFFFFFFF  }
0xbc: {  	_ =	strace $0x90000048  }
0xbd: {  	_ =	sfence  }
0xbe: {  	s30 =	sld [smem:$0x0];
	_ =	sdelay $0x2  }
0xbf: {  	s31 =	sshll.u32 s1, $0xD;
	s1 =	sshrl.u32 s1, $0x2  }
0xc0: {  	s3 =	sand.u32 $0x4000, s31;
	s1 =	sadd.s32 s1, s30  }
0xc1: {  	s0 =	sor.u32 s3, s0;
	s1 =	sshll.u32 s1, $0x11  }
0xc2: {  	s0 =	sor.u32 s1, s0  }
0xc3: {  	s0 =	sadd.s32 $0x8F2B, s0  }
0xc4: {  	[sflag:s0] =	ssyncadd.remote.s32 $0x1  }
0xc5: {  	_ =	sfence.sel $0xFFFF  }
0xc6: {  	[dreg:$0x0] =	wrdreg $0xFFFFFFFF;
	(pc) =	sbr.abs _section_cstart, $3  }
0xc7: {  	[dreg:$0x1] =	wrdreg $0xFFFFFFFF  }
0xc8: {  	_ =	task.clear_ibuf [dreg:s9], $0x2FFFF;
	_ =	strace $0x9FFFFFFF  }
0xc9: {  	(tm) =	ssettm $0x7FFFFFFF  }
tec
execute0_lowered:
.L_overlay_start_1:
0x0: {  	(tag) =	ssettag $0x1  }
0x1: {  	s0 =	rddreg [dreg:$0x0]  }
0x2: {  	s2 =	rddreg [dreg:$0x1]  }
0x3: {  	s1 =	rddreg [dreg:$0x2];
	s3 =	srdreg.scid  }
0x4: {  	s9 =	stileid.u32;
	s28 =	simm.s32 $0x8400;
	s29 =	simm.s32 $0x8C00  }
0x5: {  	s30 =	simm.s32 $0x9400;
	s31 =	simm.s32 $0x9C00;
	s12 =	simm.s32 $0xB400  }
0x6: {  	s13 =	simm.s32 $0xBC00;
	s14 =	simm.s32 $0xC400;
	s15 =	simm.s32 $0xCC00  }
0x7: {  	s16 =	simm.s32 $0xD400;
	s17 =	simm.s32 $0xDC00;
	s18 =	simm.s32 $0xE400  }
0x8: {  	s19 =	simm.s32 $0xEC00;
	s20 =	simm.s32 $0xF400;
	s21 =	simm.s32 $0xFC00  }
0x9: {  	s22 =	simm.s32 $0x1;
	s23 =	simm.s32 $0x3;
	s4 =	sand.u32 $0x1, s3  }
0xa: {  	s3 =	simm.s32 $0x0;
	s5 =	sshll.u32 s9, $0xB;
	s25 =	sshll.u32 s9, $0x12  }
0xb: {  	s6 =	sshll.u32 s4, $0xA;
	[smem:$0x7FF] =	sst s3;
	s7 =	ssub.s32 $0x2, s4  }
0xc: {  	s26 =	sshll.u32 s4, $0x11;
	s5 =	sor.u32 s6, s5;
	_ =	strace $0x80000047  }
0xd: {  	s24 =	sshrl.u32 s7, $0x1;
	s6 =	sadd.s32 $0x200, s2;
	s5 =	sshrl.u32 s5, $0x3  }
.Ltmp0:
0xe: {  	s8 =	ssub.s32 s7, s24;
	s0 =	sadd.s32 s0, s5;
	(pc) =	sbr.rel .LBB2_1-.Ltmp0, $4  }
0xf: {  	s7 =	sadd.s32 $0x300, s2;
	s8 =	smax.u32 s8, $0x1;
	[dreg:$0x4] =	wrdreg s0  }
0x10: {  	v2 =	vlaneseq.u32;
	s24 =	simm.s32 $0x2;
	s5 =	sadd.s32 $0x100, s2;
	[dreg:$0x5] =	wrdreg s8  }
0x11: {  	vm0 =	vmmov $0xffff;
	v1 =	vshrl.u32 v2, $0x3;
	s0 =	sadd.s32 s25, s1;
	s1 =	simm.s32 $0xAC00;
	s25 =	simm.s32 $0x4  }
0x12: {  	v0 =	vand.u32 $0x7, v2;
	v2 =	vor.u32 $0x8, v2;
	v1 =	vmul.u32 $0x8, v1;
	s8 =	simm.s32 $0x0;
	s9 =	sadd.s32 s26, s0;
	s0 =	simm.s32 $0xA400  }
.LBB2_4:
0x13: {  	s8 =	rddreg [dreg:$0x6]  }
0x14: {  	s4 =	rddreg [dreg:$0x5];
	s8 =	sadd.s32 $0x1, s8  }
0x15: {  	p0 =	sne.s32 s8, s4  }
.Ltmp1:
0x16: {  	_ = 	snop;
	(pc) =	sbr.rel @!p0 .LBB2_5-.Ltmp1, $1  }
0x17: {  	_ =	sdelay $0x3  }
.LBB2_1:
0x18: {  	[dreg:$0x6] =	wrdreg s8  }
0x19: {  	s4 =	rddreg [dreg:$0x4];
	s26 =	simm.s32 $0x5  }
0x1a: {  	[tilespmem:s3], [sflag:$0x5] =	stream.linear.gather [hbm4b:s4+s3], $0x400, $0x38;
	[tilespmem:$0x10400] =	vst v63  }
0x1b: {  	_ =	swait.ge [sflag:s26], $0x400  }
0x1c: {  	[sflag:s26] =	ssyncset.done $0x0  }
0x1d: {  	[sflag:s26] =	ssyncadd.s32 $0xFFFFFC00  }
0x1e: {  	v3 =	vld [tilespmem:$0x0];
	_ =	sdelay $0x4  }
0x1f: {  	v4 =	vshll.u32 v3, $0x3  }
0x20: {  	v3 =	vand.u32 $0x7, v3;
	v4 =	vand.u32 $0xFFFFFFC0, v4  }
0x21: {  	v3 =	vor.u32 v3, v4  }
0x22: {  	v4 =	vperm.xlane v3, v0;
	_ =	sdelay $0x1  }
0x23: {  	v4 =	vadd.s32 v1, v4;
	_ =	sdelay $0x3  }
0x24: {  	s8 =	simm.s32 $0x400  }
0x25: {  	[tilespmem:s8], [sflag:$0x1] =	stream.indirect_vreg.gather [hbm4b:s2+s3], $0x80, v4, vm0, $0xb8;
	[tilespmem:$0x10400] =	vst v63  }
0x26: {  	s10 =	simm.s32 $0xC00;
	v3 =	vperm.xlane v3, v2  }
0x27: {  	[tilespmem:s10], [sflag:$0x1] =	stream.indirect_vreg.gather [hbm4b:s5+s3], $0x80, v4, vm0, $0xb8;
	[tilespmem:$0x10400] =	vst v63  }
0x28: {  	s11 =	simm.s32 $0x1400;
	v3 =	vadd.s32 v1, v3  }
0x29: {  	[tilespmem:s11], [sflag:$0x1] =	stream.indirect_vreg.gather [hbm4b:s6+s3], $0x80, v4, vm0, $0xb8;
	[tilespmem:$0x10400] =	vst v63  }
0x2a: {  	s26 =	simm.s32 $0x1C00  }
0x2b: {  	[tilespmem:s26], [sflag:$0x1] =	stream.indirect_vreg.gather [hbm4b:s7+s3], $0x80, v4, vm0, $0xb8;
	[tilespmem:$0x10400] =	vst v63  }
0x2c: {  	s8 =	simm.s32 $0x2400  }
0x2d: {  	[tilespmem:s8], [sflag:$0x1] =	stream.indirect_vreg.gather [hbm4b:s2+s3], $0x80, v3, vm0, $0xb8;
	[tilespmem:$0x10400] =	vst v63  }
0x2e: {  	s10 =	simm.s32 $0x2C00  }
0x2f: {  	[tilespmem:s10], [sflag:$0x1] =	stream.indirect_vreg.gather [hbm4b:s5+s3], $0x80, v3, vm0, $0xb8;
	[tilespmem:$0x10400] =	vst v63  }
0x30: {  	s11 =	simm.s32 $0x3400  }
0x31: {  	[tilespmem:s11], [sflag:$0x1] =	stream.indirect_vreg.gather [hbm4b:s6+s3], $0x80, v3, vm0, $0xb8;
	[tilespmem:$0x10400] =	vst v63  }
0x32: {  	s26 =	simm.s32 $0x3C00  }
0x33: {  	[tilespmem:s26], [sflag:$0x1] =	stream.indirect_vreg.gather [hbm4b:s7+s3], $0x80, v3, vm0, $0xb8;
	[tilespmem:$0x10400] =	vst v63  }
0x34: {  	v3 =	vld [tilespmem:$0x10];
	_ =	sdelay $0x4  }
0x35: {  	v61 =	vshll.u32 v3, $0x3  }
0x36: {  	v3 =	vand.u32 $0x7, v3;
	v4 =	vand.u32 $0xFFFFFFC0, v61  }
0x37: {  	v3 =	vor.u32 v3, v4  }
0x38: {  	v4 =	vperm.xlane v3, v0;
	_ =	sdelay $0x1  }
0x39: {  	v4 =	vadd.s32 v1, v4;
	_ =	sdelay $0x3  }
0x3a: {  	s8 =	simm.s32 $0x4400  }
0x3b: {  	[tilespmem:s8], [sflag:$0x1] =	stream.indirect_vreg.gather [hbm4b:s2+s3], $0x80, v4, vm0, $0xb8;
	[tilespmem:$0x10400] =	vst v63  }
0x3c: {  	s10 =	simm.s32 $0x4C00;
	v3 =	vperm.xlane v3, v2  }
0x3d: {  	[tilespmem:s10], [sflag:$0x1] =	stream.indirect_vreg.gather [hbm4b:s5+s3], $0x80, v4, vm0, $0xb8;
	[tilespmem:$0x10400] =	vst v63  }
0x3e: {  	s11 =	simm.s32 $0x5400;
	v3 =	vadd.s32 v1, v3  }
0x3f: {  	[tilespmem:s11], [sflag:$0x1] =	stream.indirect_vreg.gather [hbm4b:s6+s3], $0x80, v4, vm0, $0xb8;
	[tilespmem:$0x10400] =	vst v63  }
0x40: {  	s26 =	simm.s32 $0x5C00  }
0x41: {  	[tilespmem:s26], [sflag:$0x1] =	stream.indirect_vreg.gather [hbm4b:s7+s3], $0x80, v4, vm0, $0xb8;
	[tilespmem:$0x10400] =	vst v63  }
0x42: {  	s8 =	simm.s32 $0x6400  }
0x43: {  	[tilespmem:s8], [sflag:$0x1] =	stream.indirect_vreg.gather [hbm4b:s2+s3], $0x80, v3, vm0, $0xb8;
	[tilespmem:$0x10400] =	vst v63  }
0x44: {  	s10 =	simm.s32 $0x6C00  }
0x45: {  	[tilespmem:s10], [sflag:$0x1] =	stream.indirect_vreg.gather [hbm4b:s5+s3], $0x80, v3, vm0, $0xb8;
	[tilespmem:$0x10400] =	vst v63  }
0x46: {  	s11 =	simm.s32 $0x7400  }
0x47: {  	[tilespmem:s11], [sflag:$0x1] =	stream.indirect_vreg.gather [hbm4b:s6+s3], $0x80, v3, vm0, $0xb8;
	[tilespmem:$0x10400] =	vst v63  }
0x48: {  	s26 =	simm.s32 $0x7C00  }
0x49: {  	[tilespmem:s26], [sflag:$0x1] =	stream.indirect_vreg.gather [hbm4b:s7+s3], $0x80, v3, vm0, $0xb8;
	[tilespmem:$0x10400] =	vst v63  }
0x4a: {  	v3 =	vld [tilespmem:$0x20];
	_ =	sdelay $0x4  }
0x4b: {  	v62 =	vshll.u32 v3, $0x3  }
0x4c: {  	v3 =	vand.u32 $0x7, v3;
	v4 =	vand.u32 $0xFFFFFFC0, v62  }
0x4d: {  	v3 =	vor.u32 v3, v4  }
0x4e: {  	v4 =	vperm.xlane v3, v0;
	_ =	sdelay $0x1  }
0x4f: {  	v4 =	vadd.s32 v1, v4;
	_ =	sdelay $0x4  }
0x50: {  	[tilespmem:s28], [sflag:$0x2] =	stream.indirect_vreg.gather [hbm4b:s2+s3], $0x80, v4, vm0, $0xb8;
	[tilespmem:$0x10400] =	vst v63  }
0x51: {  	v3 =	vperm.xlane v3, v2  }
0x52: {  	[tilespmem:s29], [sflag:$0x2] =	stream.indirect_vreg.gather [hbm4b:s5+s3], $0x80, v4, vm0, $0xb8;
	[tilespmem:$0x10400] =	vst v63  }
0x53: {  	v3 =	vadd.s32 v1, v3  }
0x54: {  	[tilespmem:s30], [sflag:$0x2] =	stream.indirect_vreg.gather [hbm4b:s6+s3], $0x80, v4, vm0, $0xb8;
	[tilespmem:$0x10400] =	vst v63  }
0x55: {  	_ = 	snop  }
0x56: {  	[tilespmem:s31], [sflag:$0x2] =	stream.indirect_vreg.gather [hbm4b:s7+s3], $0x80, v4, vm0, $0xb8;
	[tilespmem:$0x10400] =	vst v63  }
0x57: {  	_ = 	snop  }
0x58: {  	[tilespmem:s0], [sflag:$0x2] =	stream.indirect_vreg.gather [hbm4b:s2+s3], $0x80, v3, vm0, $0xb8;
	[tilespmem:$0x10400] =	vst v63  }
0x59: {  	_ = 	snop  }
0x5a: {  	[tilespmem:s1], [sflag:$0x2] =	stream.indirect_vreg.gather [hbm4b:s5+s3], $0x80, v3, vm0, $0xb8;
	[tilespmem:$0x10400] =	vst v63  }
0x5b: {  	_ = 	snop  }
0x5c: {  	[tilespmem:s12], [sflag:$0x2] =	stream.indirect_vreg.gather [hbm4b:s6+s3], $0x80, v3, vm0, $0xb8;
	[tilespmem:$0x10400] =	vst v63  }
0x5d: {  	_ = 	snop  }
0x5e: {  	[tilespmem:s13], [sflag:$0x2] =	stream.indirect_vreg.gather [hbm4b:s7+s3], $0x80, v3, vm0, $0xb8;
	[tilespmem:$0x10400] =	vst v63  }
0x5f: {  	v3 =	vld [tilespmem:$0x30];
	_ =	sdelay $0x4  }
0x60: {  	v63 =	vshll.u32 v3, $0x3  }
0x61: {  	v3 =	vand.u32 $0x7, v3;
	v4 =	vand.u32 $0xFFFFFFC0, v63  }
0x62: {  	v3 =	vor.u32 v3, v4  }
0x63: {  	v4 =	vperm.xlane v3, v0;
	_ =	sdelay $0x1  }
0x64: {  	v4 =	vadd.s32 v1, v4;
	_ =	sdelay $0x4  }
0x65: {  	[tilespmem:s14], [sflag:$0x2] =	stream.indirect_vreg.gather [hbm4b:s2+s3], $0x80, v4, vm0, $0xb8;
	[tilespmem:$0x10400] =	vst v63  }
0x66: {  	v3 =	vperm.xlane v3, v2  }
0x67: {  	[tilespmem:s15], [sflag:$0x2] =	stream.indirect_vreg.gather [hbm4b:s5+s3], $0x80, v4, vm0, $0xb8;
	[tilespmem:$0x10400] =	vst v63  }
0x68: {  	v3 =	vadd.s32 v1, v3  }
0x69: {  	[tilespmem:s16], [sflag:$0x2] =	stream.indirect_vreg.gather [hbm4b:s6+s3], $0x80, v4, vm0, $0xb8;
	[tilespmem:$0x10400] =	vst v63  }
0x6a: {  	_ = 	snop  }
0x6b: {  	[tilespmem:s17], [sflag:$0x2] =	stream.indirect_vreg.gather [hbm4b:s7+s3], $0x80, v4, vm0, $0xb8;
	[tilespmem:$0x10400] =	vst v63  }
0x6c: {  	_ = 	snop  }
0x6d: {  	[tilespmem:s18], [sflag:$0x2] =	stream.indirect_vreg.gather [hbm4b:s2+s3], $0x80, v3, vm0, $0xb8;
	[tilespmem:$0x10400] =	vst v63  }
0x6e: {  	_ = 	snop  }
0x6f: {  	[tilespmem:s19], [sflag:$0x2] =	stream.indirect_vreg.gather [hbm4b:s5+s3], $0x80, v3, vm0, $0xb8;
	[tilespmem:$0x10400] =	vst v63  }
0x70: {  	_ = 	snop  }
0x71: {  	[tilespmem:s20], [sflag:$0x2] =	stream.indirect_vreg.gather [hbm4b:s6+s3], $0x80, v3, vm0, $0xb8;
	[tilespmem:$0x10400] =	vst v63  }
0x72: {  	s4 =	simm.s32 $0x70;
	s8 =	simm.s32 $0x0  }
0x73: {  	[tilespmem:s21], [sflag:$0x2] =	stream.indirect_vreg.gather [hbm4b:s7+s3], $0x80, v3, vm0, $0xb8;
	[tilespmem:$0x10400] =	vst v63  }
.LBB2_2:
0x74: {  	_ =	swait.ge [sflag:s22], $0x8000  }
0x75: {  	[sflag:s22] =	ssyncset.done $0x0  }
0x76: {  	s10 =	sadd.s32 s8, s9;
	s11 =	simm.s32 $0x400;
	[sflag:s22] =	ssyncadd.s32 $0xFFFF8000  }
0x77: {  	[hbm4b:s10+s3] =	stream.linear.scatter [tilespmem:s11], [sflag:$0x3], $0x8000, $0x38;
	[tilespmem:$0x10400] =	vst v63  }
0x78: {  	_ =	swait.ge [sflag:s23], $0x8000  }
0x79: {  	[sflag:s23] =	ssyncset.done $0x0  }
0x7a: {  	p0 =	seq.s32 s8, $0x1E000;
	[sflag:s23] =	ssyncadd.s32 $0xFFFF8000  }
0x7b: {  	v3 =	vld @!p0 [tilespmem:s4+$0xFFFFFFD0];
	_ =	sdelay $0x4  }
0x7c: {  	v4 =	vshll.u32 @!p0 v3, $0x3  }
0x7d: {  	v5 =	vlaneseq.u32 @!p0;
	v3 =	vand.u32 @!p0 $0x7, v3;
	v4 =	vand.u32 @!p0 $0xFFFFFFC0, v4  }
0x7e: {  	v6 =	vshrl.u32 @!p0 v5, $0x3;
	v3 =	vor.u32 @!p0 v3, v4;
	v4 =	vand.u32 @!p0 $0x7, v5  }
0x7f: {  	v6 =	vmul.u32 @!p0 $0x8, v6;
	v7 =	vperm.xlane @!p0 v3, v4;
	_ =	sdelay $0x1  }
0x80: {  	v7 =	vadd.s32 @!p0 v6, v7;
	_ =	sdelay $0x3  }
0x81: {  	vm1 =	vmmov @!p0 $0xffff;
	s26 =	simm.s32 @!p0 $0x0;
	s11 =	simm.s32 @!p0 $0x400  }
0x82: {  	v5 =	vor.u32 @!p0 $0x8, v5;
	[tilespmem:s11], [sflag:$0x1] =	stream.indirect_vreg.gather @!p0 [hbm4b:s2+s26], $0x80, v7, vm1, $0xb8;
	[tilespmem:$0x10400] =	vst v63  }
0x83: {  	v3 =	vperm.xlane @!p0 v3, v5;
	s11 =	simm.s32 @!p0 $0xC00  }
0x84: {  	[tilespmem:s11], [sflag:$0x1] =	stream.indirect_vreg.gather @!p0 [hbm4b:s5+s26], $0x80, v7, vm1, $0xb8;
	[tilespmem:$0x10400] =	vst v63  }
0x85: {  	v3 =	vadd.s32 @!p0 v6, v3;
	s11 =	simm.s32 @!p0 $0x1400  }
0x86: {  	[tilespmem:s11], [sflag:$0x1] =	stream.indirect_vreg.gather @!p0 [hbm4b:s6+s26], $0x80, v7, vm1, $0xb8;
	[tilespmem:$0x10400] =	vst v63  }
0x87: {  	s11 =	simm.s32 @!p0 $0x1C00  }
0x88: {  	[tilespmem:s11], [sflag:$0x1] =	stream.indirect_vreg.gather @!p0 [hbm4b:s7+s26], $0x80, v7, vm1, $0xb8;
	[tilespmem:$0x10400] =	vst v63  }
0x89: {  	s11 =	simm.s32 @!p0 $0x2400  }
0x8a: {  	[tilespmem:s11], [sflag:$0x1] =	stream.indirect_vreg.gather @!p0 [hbm4b:s2+s26], $0x80, v3, vm1, $0xb8;
	[tilespmem:$0x10400] =	vst v63  }
0x8b: {  	s11 =	simm.s32 @!p0 $0x2C00  }
0x8c: {  	[tilespmem:s11], [sflag:$0x1] =	stream.indirect_vreg.gather @!p0 [hbm4b:s5+s26], $0x80, v3, vm1, $0xb8;
	[tilespmem:$0x10400] =	vst v63  }
0x8d: {  	s11 =	simm.s32 @!p0 $0x3400  }
0x8e: {  	[tilespmem:s11], [sflag:$0x1] =	stream.indirect_vreg.gather @!p0 [hbm4b:s6+s26], $0x80, v3, vm1, $0xb8;
	[tilespmem:$0x10400] =	vst v63  }
0x8f: {  	s11 =	simm.s32 @!p0 $0x3C00  }
0x90: {  	[tilespmem:s11], [sflag:$0x1] =	stream.indirect_vreg.gather @!p0 [hbm4b:s7+s26], $0x80, v3, vm1, $0xb8;
	[tilespmem:$0x10400] =	vst v63  }
0x91: {  	v3 =	vld @!p0 [tilespmem:s4+$0xFFFFFFE0];
	_ =	sdelay $0x4  }
0x92: {  	v7 =	vshll.u32 @!p0 v3, $0x3  }
0x93: {  	v3 =	vand.u32 @!p0 $0x7, v3;
	v7 =	vand.u32 @!p0 $0xFFFFFFC0, v7  }
0x94: {  	v3 =	vor.u32 @!p0 v3, v7  }
0x95: {  	v4 =	vperm.xlane @!p0 v3, v4;
	_ =	sdelay $0x1  }
0x96: {  	v4 =	vadd.s32 @!p0 v6, v4;
	_ =	sdelay $0x3  }
0x97: {  	s11 =	simm.s32 @!p0 $0x4400  }
0x98: {  	[tilespmem:s11], [sflag:$0x1] =	stream.indirect_vreg.gather @!p0 [hbm4b:s2+s26], $0x80, v4, vm1, $0xb8;
	[tilespmem:$0x10400] =	vst v63  }
0x99: {  	v3 =	vperm.xlane @!p0 v3, v5;
	s11 =	simm.s32 @!p0 $0x4C00  }
0x9a: {  	[tilespmem:s11], [sflag:$0x1] =	stream.indirect_vreg.gather @!p0 [hbm4b:s5+s26], $0x80, v4, vm1, $0xb8;
	[tilespmem:$0x10400] =	vst v63  }
0x9b: {  	v3 =	vadd.s32 @!p0 v6, v3;
	s11 =	simm.s32 @!p0 $0x5400  }
0x9c: {  	[tilespmem:s11], [sflag:$0x1] =	stream.indirect_vreg.gather @!p0 [hbm4b:s6+s26], $0x80, v4, vm1, $0xb8;
	[tilespmem:$0x10400] =	vst v63  }
0x9d: {  	s11 =	simm.s32 @!p0 $0x5C00  }
0x9e: {  	[tilespmem:s11], [sflag:$0x1] =	stream.indirect_vreg.gather @!p0 [hbm4b:s7+s26], $0x80, v4, vm1, $0xb8;
	[tilespmem:$0x10400] =	vst v63  }
0x9f: {  	s11 =	simm.s32 @!p0 $0x6400  }
0xa0: {  	[tilespmem:s11], [sflag:$0x1] =	stream.indirect_vreg.gather @!p0 [hbm4b:s2+s26], $0x80, v3, vm1, $0xb8;
	[tilespmem:$0x10400] =	vst v63  }
0xa1: {  	s11 =	simm.s32 @!p0 $0x6C00  }
0xa2: {  	[tilespmem:s11], [sflag:$0x1] =	stream.indirect_vreg.gather @!p0 [hbm4b:s5+s26], $0x80, v3, vm1, $0xb8;
	[tilespmem:$0x10400] =	vst v63  }
0xa3: {  	s11 =	simm.s32 @!p0 $0x7400  }
0xa4: {  	[tilespmem:s11], [sflag:$0x1] =	stream.indirect_vreg.gather @!p0 [hbm4b:s6+s26], $0x80, v3, vm1, $0xb8;
	[tilespmem:$0x10400] =	vst v63  }
0xa5: {  	s11 =	simm.s32 @!p0 $0x7C00  }
0xa6: {  	[tilespmem:s11], [sflag:$0x1] =	stream.indirect_vreg.gather @!p0 [hbm4b:s7+s26], $0x80, v3, vm1, $0xb8;
	[tilespmem:$0x10400] =	vst v63  }
0xa7: {  	_ =	swait.ge [sflag:s24], $0x8000  }
0xa8: {  	[sflag:s24] =	ssyncset.done $0x0  }
.Ltmp2:
0xa9: {  	s10 =	sadd.s32 $0x1000, s10;
	[sflag:s24] =	ssyncadd.s32 $0xFFFF8000;
	(pc) =	sbr.rel @p0 .LBB2_4-.Ltmp2, $4  }
0xaa: {  	[hbm4b:s10+s3] =	stream.linear.scatter [tilespmem:s28], [sflag:$0x4], $0x8000, $0x38;
	[tilespmem:$0x10400] =	vst v63  }
0xab: {  	_ =	swait.ge [sflag:s25], $0x8000  }
0xac: {  	[sflag:s25] =	ssyncset.done $0x0  }
0xad: {  	[sflag:s25] =	ssyncadd.s32 $0xFFFF8000  }
0xae: {  	v3 =	vld [tilespmem:s4+$0xFFFFFFF0];
	_ =	sdelay $0x4  }
0xaf: {  	v4 =	vshll.u32 v3, $0x3  }
0xb0: {  	v3 =	vand.u32 $0x7, v3;
	v4 =	vand.u32 $0xFFFFFFC0, v4  }
0xb1: {  	v3 =	vor.u32 v3, v4  }
0xb2: {  	v4 =	vperm.xlane v3, v0;
	_ =	sdelay $0x1  }
0xb3: {  	v4 =	vadd.s32 v1, v4;
	_ =	sdelay $0x4  }
0xb4: {  	[tilespmem:s28], [sflag:$0x2] =	stream.indirect_vreg.gather [hbm4b:s2+s3], $0x80, v4, vm0, $0xb8;
	[tilespmem:$0x10400] =	vst v63  }
0xb5: {  	v3 =	vperm.xlane v3, v2  }
0xb6: {  	[tilespmem:s29], [sflag:$0x2] =	stream.indirect_vreg.gather [hbm4b:s5+s3], $0x80, v4, vm0, $0xb8;
	[tilespmem:$0x10400] =	vst v63  }
0xb7: {  	v3 =	vadd.s32 v1, v3  }
0xb8: {  	[tilespmem:s30], [sflag:$0x2] =	stream.indirect_vreg.gather [hbm4b:s6+s3], $0x80, v4, vm0, $0xb8;
	[tilespmem:$0x10400] =	vst v63  }
0xb9: {  	_ = 	snop  }
0xba: {  	[tilespmem:s31], [sflag:$0x2] =	stream.indirect_vreg.gather [hbm4b:s7+s3], $0x80, v4, vm0, $0xb8;
	[tilespmem:$0x10400] =	vst v63  }
0xbb: {  	_ = 	snop  }
0xbc: {  	[tilespmem:s0], [sflag:$0x2] =	stream.indirect_vreg.gather [hbm4b:s2+s3], $0x80, v3, vm0, $0xb8;
	[tilespmem:$0x10400] =	vst v63  }
0xbd: {  	_ = 	snop  }
0xbe: {  	[tilespmem:s1], [sflag:$0x2] =	stream.indirect_vreg.gather [hbm4b:s5+s3], $0x80, v3, vm0, $0xb8;
	[tilespmem:$0x10400] =	vst v63  }
0xbf: {  	_ = 	snop  }
0xc0: {  	[tilespmem:s12], [sflag:$0x2] =	stream.indirect_vreg.gather [hbm4b:s6+s3], $0x80, v3, vm0, $0xb8;
	[tilespmem:$0x10400] =	vst v63  }
0xc1: {  	_ = 	snop  }
0xc2: {  	[tilespmem:s13], [sflag:$0x2] =	stream.indirect_vreg.gather [hbm4b:s7+s3], $0x80, v3, vm0, $0xb8;
	[tilespmem:$0x10400] =	vst v63  }
0xc3: {  	v3 =	vld [tilespmem:s4+$0x0];
	_ =	sdelay $0x4  }
0xc4: {  	v63 =	vshll.u32 v3, $0x3  }
0xc5: {  	v3 =	vand.u32 $0x7, v3;
	v4 =	vand.u32 $0xFFFFFFC0, v63  }
0xc6: {  	v3 =	vor.u32 v3, v4  }
0xc7: {  	v4 =	vperm.xlane v3, v0;
	_ =	sdelay $0x1  }
0xc8: {  	v4 =	vadd.s32 v1, v4;
	_ =	sdelay $0x4  }
0xc9: {  	[tilespmem:s14], [sflag:$0x2] =	stream.indirect_vreg.gather [hbm4b:s2+s3], $0x80, v4, vm0, $0xb8;
	[tilespmem:$0x10400] =	vst v63  }
0xca: {  	v3 =	vperm.xlane v3, v2  }
0xcb: {  	[tilespmem:s15], [sflag:$0x2] =	stream.indirect_vreg.gather [hbm4b:s5+s3], $0x80, v4, vm0, $0xb8;
	[tilespmem:$0x10400] =	vst v63  }
0xcc: {  	v3 =	vadd.s32 v1, v3  }
0xcd: {  	[tilespmem:s16], [sflag:$0x2] =	stream.indirect_vreg.gather [hbm4b:s6+s3], $0x80, v4, vm0, $0xb8;
	[tilespmem:$0x10400] =	vst v63  }
0xce: {  	_ = 	snop  }
0xcf: {  	[tilespmem:s17], [sflag:$0x2] =	stream.indirect_vreg.gather [hbm4b:s7+s3], $0x80, v4, vm0, $0xb8;
	[tilespmem:$0x10400] =	vst v63  }
0xd0: {  	_ = 	snop  }
0xd1: {  	[tilespmem:s18], [sflag:$0x2] =	stream.indirect_vreg.gather [hbm4b:s2+s3], $0x80, v3, vm0, $0xb8;
	[tilespmem:$0x10400] =	vst v63  }
0xd2: {  	_ = 	snop  }
0xd3: {  	[tilespmem:s19], [sflag:$0x2] =	stream.indirect_vreg.gather [hbm4b:s5+s3], $0x80, v3, vm0, $0xb8;
	[tilespmem:$0x10400] =	vst v63  }
.Ltmp3:
0xd4: {  	_ = 	snop;
	(pc) =	sbr.rel .LBB2_2-.Ltmp3, $4  }
0xd5: {  	_ = 	snop  }
0xd6: {  	[tilespmem:s20], [sflag:$0x2] =	stream.indirect_vreg.gather [hbm4b:s6+s3], $0x80, v3, vm0, $0xb8;
	[tilespmem:$0x10400] =	vst v63  }
0xd7: {  	s8 =	sadd.s32 $0x2000, s8;
	s4 =	sadd.s32 $0x40, s4  }
0xd8: {  	[tilespmem:s21], [sflag:$0x2] =	stream.indirect_vreg.gather [hbm4b:s7+s3], $0x80, v3, vm0, $0xb8;
	[tilespmem:$0x10400] =	vst v63  }
.LBB2_5:
0xd9: {  	_ =	sfence.sel $0x180000  }
0xda: {  	[bflag:$0x0] =	sbarrier.arrive $0xFFFF  }
0xdb: {  	_ =	strace $0x90000047  }
0xdc: {  	s0 =	stileid.u32;
	[bflag:$0x2] =	sbarrier.arrive $0xFFFF  }
0xdd: {  	p0 =	sne.s32 s0, $0x0;
	s0 =	rddreg [dreg:$0x3]  }
0xde: {  	s0 =	sadd.s32 @!p0 $0x100000, s0  }
0xdf: {  	[sflag:s0] =	ssyncadd.tile.s32 @!p0 $0x1;
	_ =	shalt  }
.Lfunc_end2:
_tile_overlayer_lowered:
.L_overlay_start_2:
0xe0: {  	(tag) =	ssettag $0x2  }
0xe1: {  	s0 =	rddreg [dreg:$0x0];
	s2 =	stileid.u32  }
0xe2: {  	s1 =	rddreg [dreg:$0x1];
	p0 =	sne.s32 s2, $0x0  }
0xe3: {  	s3 =	rddreg [dreg:$0x2];
	[bflag:$0x3] =	sbarrier.arrive $0xFFFF;
	s2 =	simm.s32 @!p0 $0x1C05  }
0xe4: {  	[timem:s3], [sflag:s2] =	dma.local @!p0 [hbm:s0], s1  }
0xe5: {  	s0 =	simm.s32 @!p0 $0x5  }
0xe6: {  	_ =	swait.ge @!p0 [sflag:s0], s1  }
0xe7: {  	s1 =	ssub.s32 @!p0 $0x0, s1;
	[sflag:s0] =	ssyncset.done @!p0 $0x0  }
0xe8: {  	[sflag:s0] =	ssyncadd.s32 @!p0 s1  }
0xe9: {  	[bflag:$0x3] =	sbarrier.arrive $0xFFFF  }
0xea: {  	_ =	shalt  }

</sc_bundles>
